<compile_context>
chip_gen: v7x
topology: tpu7x:2x2x1
jax: 0.10.2.dev20260603
libtpu: 0.0.44.dev20260713+nightly
codegen_flags: <defaults>
</compile_context>

<pallas_src>
import functools

import jax
import jax.numpy as jnp
from jax import lax
from jax.experimental import pallas as pl
from jax.experimental.pallas import tpu as pltpu
from jax.experimental.pallas import tpu_sc as plsc

M = 10_000_000
B = 1_000_000

LR = 0.001
B1 = 0.9
B2 = 0.999
EPS = 1e-08
LR_T = LR * ((1.0 - B2) ** 0.5) / (1.0 - B1)

NC = 2
NS = 16
L = 16

R = 851_968
TSLICE = R // NS
NPASS = 6
DUMP = 64
DC = 2048
NDC = TSLICE // DC
GC = 2048
NGC_FULL = B // GC
GTAIL = B - NGC_FULL * GC
DENSE_TAIL_START = (M // DC) * DC
DENSE_TAIL = M - DENSE_TAIL_START

_mesh = plsc.VectorSubcoreMesh(core_axis_name="c", subcore_axis_name="s")


def _fori(n, body):
    lax.fori_loop(0, n, lambda i, c: (body(i), 0)[1], 0)


def _adam_vec(pp, a1, a2):
    a2s = jnp.maximum(a2, jnp.float32(1e-35))
    yi = jnp.int32(0x5F3759DF) - lax.shift_right_logical(
        lax.bitcast_convert_type(a2s, jnp.int32), jnp.int32(1))
    y = lax.bitcast_convert_type(yi, jnp.float32)
    for _ in range(3):
        y = y * (jnp.float32(1.5) - jnp.float32(0.5) * a2s * y * y)
    s = a2 * y
    return pp - jnp.float32(LR_T) * a1 / (s + jnp.float32(EPS))


@functools.partial(
    pl.kernel,
    out_type=jax.ShapeDtypeStruct((M,), jnp.float32),
    mesh=_mesh,
    scratch_types=[
        pltpu.VMEM_SHARED((R + DUMP,), jnp.float32),
        pltpu.VMEM_SHARED((R + DUMP,), jnp.float32),
        pltpu.VMEM((DC,), jnp.float32),
        pltpu.VMEM((DC,), jnp.float32),
        pltpu.VMEM((DC,), jnp.float32),
        pltpu.VMEM((GC,), jnp.int32),
        pltpu.VMEM((GC,), jnp.float32),
        pltpu.VMEM((GC,), jnp.float32),
        pltpu.VMEM((GC,), jnp.int32),
        pltpu.VMEM((GTAIL,), jnp.int32),
        pltpu.VMEM((GTAIL,), jnp.float32),
        pltpu.VMEM((GTAIL,), jnp.float32),
        pltpu.VMEM((GTAIL,), jnp.int32),
        pltpu.VMEM((DC,), jnp.float32),
    ],
)
def _adam_sc(param_hbm, gval_hbm, gidx_hbm, out_hbm,
             accum1, accum2, pbuf, s1buf, s2buf,
             idxbuf, gvbuf, gv2buf, lidxbuf,
             idxbuf_t, gvbuf_t, gv2buf_t, lidxbuf_t, zbuf):
    c = lax.axis_index("c")
    s = lax.axis_index("s")
    wid = s * NC + c

    zero16 = jnp.zeros((L,), jnp.float32)

    def zfill(i):
        zbuf[pl.ds(pl.multiple_of(i * L, L), L)] = zero16

    _fori(DC // L, zfill)

    def grad_compute(n, ib, gb, g2b, lb, lo):
        def body(i):
            sl = pl.ds(pl.multiple_of(i * L, L), L)
            vidx = ib[sl]
            vgv = gb[sl]
            inr = (vidx >= lo) & (vidx < lo + R)
            lb[sl] = jnp.where(inr, vidx - lo, R + (vidx & (DUMP - 1)))
            g2b[sl] = vgv * vgv

        _fori(n // L, body)

    def dense_compute(n):
        def body(i):
            sl = pl.ds(pl.multiple_of(i * L, L), L)
            pbuf[sl] = _adam_vec(pbuf[sl], s1buf[sl], s2buf[sl])

        _fori(n // L, body)

    def do_pass(p):
        base = p * (NC * R)
        lo = base + c * R

        def zero_chunk(q):
            off = pl.multiple_of(s * TSLICE + q * DC, 8)
            pltpu.sync_copy(zbuf, accum1.at[pl.ds(off, DC)])
            pltpu.sync_copy(zbuf, accum2.at[pl.ds(off, DC)])

        _fori(NDC, zero_chunk)
        plsc.subcore_barrier()

        def gchunk(j):
            cid = wid + 32 * j

            @pl.when(cid < NGC_FULL)
            def _():
                off = pl.multiple_of(cid * GC, 8)
                pltpu.sync_copy(gidx_hbm.at[pl.ds(off, GC)], idxbuf)
                pltpu.sync_copy(gval_hbm.at[pl.ds(off, GC)], gvbuf)
                grad_compute(GC, idxbuf, gvbuf, gv2buf, lidxbuf, lo)
                pass


        @pl.when(wid == NGC_FULL % 32)
        def _():
            off = NGC_FULL * GC
            pltpu.sync_copy(gidx_hbm.at[pl.ds(off, GTAIL)], idxbuf_t)
            pltpu.sync_copy(gval_hbm.at[pl.ds(off, GTAIL)], gvbuf_t)
            grad_compute(GTAIL, idxbuf_t, gvbuf_t, gv2buf_t, lidxbuf_t, lo)
            pass

        plsc.subcore_barrier()

        def dchunk(k):
            ls = pl.multiple_of(s * TSLICE + k * DC, 8)
            gs = lo + s * TSLICE + k * DC

            @pl.when(gs + DC <= M)
            def _():
                gso = pl.multiple_of(gs, 8)
                pltpu.sync_copy(param_hbm.at[pl.ds(gso, DC)], pbuf)
                pltpu.sync_copy(accum1.at[pl.ds(ls, DC)], s1buf)
                pltpu.sync_copy(accum2.at[pl.ds(ls, DC)], s2buf)
                dense_compute(DC)
                pltpu.sync_copy(pbuf, out_hbm.at[pl.ds(gso, DC)])

            @pl.when(gs == DENSE_TAIL_START)
            def _():
                n = DENSE_TAIL
                pltpu.sync_copy(param_hbm.at[pl.ds(DENSE_TAIL_START, n)],
                                pbuf.at[pl.ds(0, n)])
                pltpu.sync_copy(accum1.at[pl.ds(ls, n)], s1buf.at[pl.ds(0, n)])
                pltpu.sync_copy(accum2.at[pl.ds(ls, n)], s2buf.at[pl.ds(0, n)])
                dense_compute(n)
                pltpu.sync_copy(pbuf.at[pl.ds(0, n)],
                                out_hbm.at[pl.ds(DENSE_TAIL_START, n)])


    def pbody(p):
        do_pass(p)

    _fori(NPASS, pbody)


def kernel(param, name, grad_values, grad_indices):
    del name
    return _adam_sc(param, grad_values, grad_indices)

# --- scband reference (transcript-rebuilt; emitter-appended) ---
"""Pipeline reference for scband-adam-optimizer-3427383902676 (READ-ONLY COPY).

The authoritative reference and input builder live on the scoring server;
editing this copy changes nothing except your own understanding.
"""

import jax, jax.numpy as jnp
import numpy as np

LR = 0.001
B1 = 0.9
B2 = 0.999
WD = 0.0
EPS = 1e-08
IT = 1  # self.iteration at first call

M = 10000000
B = 1000000


def setup_inputs(seed: int = 0) -> dict:
    key = jax.random.key(seed)
    k1, k2, k3 = jax.random.split(key, 3)
    param = jax.random.normal(k1, (M,), dtype=jnp.float32)
    grad_values = jax.random.normal(k2, (B,), dtype=jnp.float32)
    grad_indices = jax.random.randint(k3, (B,), 0, M, dtype=jnp.int32)
    return {"param": param, "name": 0, "grad_values": grad_values, "grad_indices": grad_indices}


def reference(param, name, grad_values, grad_indices):
    # Faithful translation of AdamOptimizer.optimize on first call for key `name`:
    # momentum buffers are freshly created as zeros.
    del name
    m = jnp.zeros_like(param)
    v = jnp.zeros_like(param)
    lr_t = LR * (jnp.sqrt(jnp.asarray(1.0 - B2 ** IT, dtype=jnp.float32)) / (1.0 - B1 ** IT))
    gv = grad_values
    if WD != 0:
        gv = gv + WD * jnp.take(param, grad_indices, axis=0)
    # m.index_add_(0, idx, (1-b1)*(g - m[idx]))
    m = m.at[grad_indices].add((1.0 - B1) * (gv - jnp.take(m, grad_indices, axis=0)))
    # v.index_add_(0, idx, (1-b2)*(g**2 - v[idx]))
    v = v.at[grad_indices].add((1.0 - B2) * (gv ** 2 - jnp.take(v, grad_indices, axis=0)))
    mt_hat = jnp.take(m, grad_indices, axis=0) / (1.0 - B1 ** IT)
    vt_hat = jnp.take(v, grad_indices, axis=0) / (1.0 - B2 ** IT)
    # param.scatter_(0, idx, param[idx] - lr_t * mt_hat / (sqrt(vt_hat) + eps))
    new_param = param.at[grad_indices].set(
        jnp.take(param, grad_indices, axis=0) - lr_t * mt_hat / (jnp.sqrt(vt_hat) + EPS)
    )
    return new_param

if __name__ == "__main__":
    import jax
    _d = setup_inputs()
    print(jax.jit(kernel)(*tuple(_d.values())))

</pallas_src>

<mosaic_0001>
#map = affine_map<(d0, d1) -> (0)>
module attributes {stable_mosaic.version = 14 : i64} {
  func.func @_adam_sc(%arg0: i32, %arg1: i32, %arg2: memref<10000000xf32, #tpu.memory_space<hbm>>, %arg3: memref<1000000xf32, #tpu.memory_space<hbm>>, %arg4: memref<1000000xi32, #tpu.memory_space<hbm>>, %arg5: memref<10000000xf32, #tpu.memory_space<hbm>>, %arg6: memref<852032xf32, #tpu.memory_space<vmem_shared>>, %arg7: memref<852032xf32, #tpu.memory_space<vmem_shared>>, %arg8: memref<2048xf32, #tpu.memory_space<vmem>>, %arg9: memref<2048xf32, #tpu.memory_space<vmem>>, %arg10: memref<2048xf32, #tpu.memory_space<vmem>>, %arg11: memref<2048xi32, #tpu.memory_space<vmem>>, %arg12: memref<2048xf32, #tpu.memory_space<vmem>>, %arg13: memref<2048xf32, #tpu.memory_space<vmem>>, %arg14: memref<2048xi32, #tpu.memory_space<vmem>>, %arg15: memref<576xi32, #tpu.memory_space<vmem>>, %arg16: memref<576xf32, #tpu.memory_space<vmem>>, %arg17: memref<576xf32, #tpu.memory_space<vmem>>, %arg18: memref<576xi32, #tpu.memory_space<vmem>>, %arg19: memref<2048xf32, #tpu.memory_space<vmem>>) attributes {dimension_semantics = [#tpu.dimension_semantics<core_parallel>, #tpu.dimension_semantics<subcore_parallel>], iteration_bounds = array<i64: 2, 16>, scalar_prefetch = 0 : i64, scratch_operands = 14 : i64, tpu.core_type = #tpu.core_type<sc_vector_subcore>, window_params = [{transform_indices = #map}, {transform_indices = #map}, {transform_indices = #map}, {transform_indices = #map}]} {
    %mul3A = arith.constant 2 : i32
    %mul3A_0 = arith.muli %arg1, %mul3A : i32
    %add3A = arith.addi %mul3A_0, %arg0 : i32
    %broadcast_in_dim3A = arith.constant 0.000000e+00 : f32
    %broadcast_in_dim3A_1 = vector.broadcast %broadcast_in_dim3A : f32 to vector<16xf32>
    %scan3A = arith.constant 0 : i32
    %scan3A_2 = arith.constant 0 : i32
    %scan3A_3 = arith.constant 128 : i32
    %scan3A_4 = arith.addi %scan3A_2, %scan3A_3 : i32
    %scan3A_5 = arith.constant 1 : i32
    %scan3A_6 = scf.for %scan3A_15 = %scan3A_2 to %scan3A_4 step %scan3A_5 iter_args(%scan3A_16 = %scan3A) -> (i32)  : i32 {
      %mul3A_17 = arith.constant 16 : i32
      %mul3A_18 = arith.muli %scan3A_15, %mul3A_17 : i32
      %multiple_of3A = tpu.assume_multiple %mul3A_18, 16 : i32
      %swap3A = arith.index_cast %multiple_of3A : i32 to index
      %swap3A_19 = tpu.vector_load %arg19[%swap3A] {strides = array<i32>} : memref<2048xf32, #tpu.memory_space<vmem>>, vector<16xf32>,
      %swap3A_20 = vector.shape_cast %swap3A_19 : vector<16xf32> to vector<16xf32>
      %swap3A_21 = vector.shape_cast %broadcast_in_dim3A_1 : vector<16xf32> to vector<16xf32>
      tpu.vector_store %arg19[%swap3A], %swap3A_21 {strides = array<i32>} : memref<2048xf32, #tpu.memory_space<vmem>>, vector<16xf32>,
      %scan3A_22 = arith.constant 0 : i32
      scf.yield %scan3A_22 : i32
    }
    %scan3A_7 = arith.constant 128 : i32
    %scan3A_8 = arith.constant 0 : i32
    %scan3A_9 = arith.constant 0 : i32
    %scan3A_10 = arith.constant 6 : i32
    %scan3A_11 = arith.addi %scan3A_9, %scan3A_10 : i32
    %scan3A_12 = arith.constant 1 : i32
    %scan3A_13 = scf.for %scan3A_15 = %scan3A_9 to %scan3A_11 step %scan3A_12 iter_args(%scan3A_16 = %scan3A_8) -> (i32)  : i32 {
      %mul3A_17 = arith.constant 1703936 : i32
      %mul3A_18 = arith.muli %scan3A_15, %mul3A_17 : i32
      %mul3A_19 = arith.constant 851968 : i32
      %mul3A_20 = arith.muli %arg0, %mul3A_19 : i32
      %add3A_21 = arith.addi %mul3A_18, %mul3A_20 : i32
      %scan3A_22 = arith.constant 0 : i32
      %scan3A_23 = arith.constant 0 : i32
      %scan3A_24 = arith.constant 26 : i32
      %scan3A_25 = arith.addi %scan3A_23, %scan3A_24 : i32
      %scan3A_26 = arith.constant 1 : i32
      %scan3A_27 = scf.for %scan3A_33 = %scan3A_23 to %scan3A_25 step %scan3A_26 iter_args(%scan3A_34 = %scan3A_22) -> (i32)  : i32 {
        %mul3A_35 = arith.constant 53248 : i32
        %mul3A_36 = arith.muli %arg1, %mul3A_35 : i32
        %mul3A_37 = arith.constant 2048 : i32
        %mul3A_38 = arith.muli %scan3A_33, %mul3A_37 : i32
        %add3A_39 = arith.addi %mul3A_36, %mul3A_38 : i32
        %multiple_of3A = tpu.assume_multiple %add3A_39, 8 : i32
        "tpu.region"() ({
          %run_scoped3A = tpu.sem_alloc : memref<!tpu.dma_semaphore, #tpu.memory_space<semaphore_mem>>
          %dma_start3A = tpu.memref_slice %arg6[%multiple_of3A] : memref<852032xf32, #tpu.memory_space<vmem_shared>> -> memref<2048xf32, #tpu.memory_space<vmem_shared>>
          %dma_start3A_41 = tpu.memref_slice %arg6[%multiple_of3A] : memref<852032xf32, #tpu.memory_space<vmem_shared>> -> memref<2048xf32, #tpu.memory_space<vmem_shared>>
          tpu.enqueue_dma source(%arg19 : memref<2048xf32, #tpu.memory_space<vmem>>) target(%dma_start3A_41 : memref<2048xf32, #tpu.memory_space<vmem_shared>>) target_semaphore(%run_scoped3A : memref<!tpu.dma_semaphore, #tpu.memory_space<semaphore_mem>>)
          %dma_wait3A = tpu.memref_slice %arg6[%multiple_of3A] : memref<852032xf32, #tpu.memory_space<vmem_shared>> -> memref<2048xf32, #tpu.memory_space<vmem_shared>>
          %dma_wait3A_42 = tpu.memref_slice %arg6[%multiple_of3A] : memref<852032xf32, #tpu.memory_space<vmem_shared>> -> memref<2048xf32, #tpu.memory_space<vmem_shared>>
          tpu.wait_dma2 semaphore(%run_scoped3A : memref<!tpu.dma_semaphore, #tpu.memory_space<semaphore_mem>>) src(%arg19 : memref<2048xf32, #tpu.memory_space<vmem>>) dst(%dma_wait3A_42 : memref<2048xf32, #tpu.memory_space<vmem_shared>>)
          tpu.yield
        }) : () -> ()
        "tpu.region"() ({
          %run_scoped3A = tpu.sem_alloc : memref<!tpu.dma_semaphore, #tpu.memory_space<semaphore_mem>>
          %dma_start3A = tpu.memref_slice %arg7[%multiple_of3A] : memref<852032xf32, #tpu.memory_space<vmem_shared>> -> memref<2048xf32, #tpu.memory_space<vmem_shared>>
          %dma_start3A_41 = tpu.memref_slice %arg7[%multiple_of3A] : memref<852032xf32, #tpu.memory_space<vmem_shared>> -> memref<2048xf32, #tpu.memory_space<vmem_shared>>
          tpu.enqueue_dma source(%arg19 : memref<2048xf32, #tpu.memory_space<vmem>>) target(%dma_start3A_41 : memref<2048xf32, #tpu.memory_space<vmem_shared>>) target_semaphore(%run_scoped3A : memref<!tpu.dma_semaphore, #tpu.memory_space<semaphore_mem>>)
          %dma_wait3A = tpu.memref_slice %arg7[%multiple_of3A] : memref<852032xf32, #tpu.memory_space<vmem_shared>> -> memref<2048xf32, #tpu.memory_space<vmem_shared>>
          %dma_wait3A_42 = tpu.memref_slice %arg7[%multiple_of3A] : memref<852032xf32, #tpu.memory_space<vmem_shared>> -> memref<2048xf32, #tpu.memory_space<vmem_shared>>
          tpu.wait_dma2 semaphore(%run_scoped3A : memref<!tpu.dma_semaphore, #tpu.memory_space<semaphore_mem>>) src(%arg19 : memref<2048xf32, #tpu.memory_space<vmem>>) dst(%dma_wait3A_42 : memref<2048xf32, #tpu.memory_space<vmem_shared>>)
          tpu.yield
        }) : () -> ()
        %scan3A_40 = arith.constant 0 : i32
        scf.yield %scan3A_40 : i32
      }
      %scan3A_28 = arith.constant 26 : i32
      %barrier3A = arith.constant 0 : index
      tpu.barrier barrier_id(%barrier3A)
      %eq3A = arith.constant 8 : i32
      %eq3A_29 = arith.cmpi eq, %add3A, %eq3A : i32
      %convert_element_type3A = arith.extui %eq3A_29 : i1 to i32
      %cond3A = arith.constant 0 : i32
      %cond3A_30 = arith.cmpi ne, %convert_element_type3A, %cond3A : i32
      scf.if %cond3A_30 {
        "tpu.region"() ({
          %run_scoped3A = tpu.sem_alloc : memref<!tpu.dma_semaphore, #tpu.memory_space<semaphore_mem>>
          %dma_start3A = arith.constant 999424 : i32
          %dma_start3A_40 = tpu.memref_slice %arg4[%dma_start3A] : memref<1000000xi32, #tpu.memory_space<hbm>> -> memref<576xi32, #tpu.memory_space<hbm>>
          %dma_start3A_41 = arith.constant 999424 : i32
          %dma_start3A_42 = tpu.memref_slice %arg4[%dma_start3A_41] : memref<1000000xi32, #tpu.memory_space<hbm>> -> memref<576xi32, #tpu.memory_space<hbm>>
          tpu.enqueue_dma source(%dma_start3A_42 : memref<576xi32, #tpu.memory_space<hbm>>) target(%arg15 : memref<576xi32, #tpu.memory_space<vmem>>) target_semaphore(%run_scoped3A : memref<!tpu.dma_semaphore, #tpu.memory_space<semaphore_mem>>)
          %dma_wait3A = arith.constant 999424 : i32
          %dma_wait3A_43 = tpu.memref_slice %arg4[%dma_wait3A] : memref<1000000xi32, #tpu.memory_space<hbm>> -> memref<576xi32, #tpu.memory_space<hbm>>
          %dma_wait3A_44 = arith.constant 999424 : i32
          %dma_wait3A_45 = tpu.memref_slice %arg4[%dma_wait3A_44] : memref<1000000xi32, #tpu.memory_space<hbm>> -> memref<576xi32, #tpu.memory_space<hbm>>
          tpu.wait_dma2 semaphore(%run_scoped3A : memref<!tpu.dma_semaphore, #tpu.memory_space<semaphore_mem>>) src(%dma_wait3A_45 : memref<576xi32, #tpu.memory_space<hbm>>) dst(%arg15 : memref<576xi32, #tpu.memory_space<vmem>>)
          tpu.yield
        }) : () -> ()
        "tpu.region"() ({
          %run_scoped3A = tpu.sem_alloc : memref<!tpu.dma_semaphore, #tpu.memory_space<semaphore_mem>>
          %dma_start3A = arith.constant 999424 : i32
          %dma_start3A_40 = tpu.memref_slice %arg3[%dma_start3A] : memref<1000000xf32, #tpu.memory_space<hbm>> -> memref<576xf32, #tpu.memory_space<hbm>>
          %dma_start3A_41 = arith.constant 999424 : i32
          %dma_start3A_42 = tpu.memref_slice %arg3[%dma_start3A_41] : memref<1000000xf32, #tpu.memory_space<hbm>> -> memref<576xf32, #tpu.memory_space<hbm>>
          tpu.enqueue_dma source(%dma_start3A_42 : memref<576xf32, #tpu.memory_space<hbm>>) target(%arg16 : memref<576xf32, #tpu.memory_space<vmem>>) target_semaphore(%run_scoped3A : memref<!tpu.dma_semaphore, #tpu.memory_space<semaphore_mem>>)
          %dma_wait3A = arith.constant 999424 : i32
          %dma_wait3A_43 = tpu.memref_slice %arg3[%dma_wait3A] : memref<1000000xf32, #tpu.memory_space<hbm>> -> memref<576xf32, #tpu.memory_space<hbm>>
          %dma_wait3A_44 = arith.constant 999424 : i32
          %dma_wait3A_45 = tpu.memref_slice %arg3[%dma_wait3A_44] : memref<1000000xf32, #tpu.memory_space<hbm>> -> memref<576xf32, #tpu.memory_space<hbm>>
          tpu.wait_dma2 semaphore(%run_scoped3A : memref<!tpu.dma_semaphore, #tpu.memory_space<semaphore_mem>>) src(%dma_wait3A_45 : memref<576xf32, #tpu.memory_space<hbm>>) dst(%arg16 : memref<576xf32, #tpu.memory_space<vmem>>)
          tpu.yield
        }) : () -> ()
        %scan3A_33 = arith.constant 0 : i32
        %scan3A_34 = arith.constant 0 : i32
        %scan3A_35 = arith.constant 36 : i32
        %scan3A_36 = arith.addi %scan3A_34, %scan3A_35 : i32
        %scan3A_37 = arith.constant 1 : i32
        %scan3A_38 = scf.for %scan3A_40 = %scan3A_34 to %scan3A_36 step %scan3A_37 iter_args(%scan3A_41 = %scan3A_33) -> (i32)  : i32 {
          %mul3A_42 = arith.constant 16 : i32
          %mul3A_43 = arith.muli %scan3A_40, %mul3A_42 : i32
          %multiple_of3A = tpu.assume_multiple %mul3A_43, 16 : i32
          %get3A = arith.index_cast %multiple_of3A : i32 to index
          %get3A_44 = tpu.vector_load %arg15[%get3A] {strides = array<i32>} : memref<576xi32, #tpu.memory_space<vmem>>, vector<16xi32>,
          %get3A_45 = vector.shape_cast %get3A_44 : vector<16xi32> to vector<16xi32>
          %get3A_46 = arith.index_cast %multiple_of3A : i32 to index
          %get3A_47 = tpu.vector_load %arg16[%get3A_46] {strides = array<i32>} : memref<576xf32, #tpu.memory_space<vmem>>, vector<16xf32>,
          %get3A_48 = vector.shape_cast %get3A_47 : vector<16xf32> to vector<16xf32>
          %ge3A = vector.broadcast %add3A_21 : i32 to vector<16xi32>
          %ge3A_49 = arith.cmpi sge, %get3A_45, %ge3A : vector<16xi32>
          %add3A_50 = arith.constant 851968 : i32
          %add3A_51 = arith.addi %add3A_21, %add3A_50 : i32
          %lt3A = vector.broadcast %add3A_51 : i32 to vector<16xi32>
          %lt3A_52 = arith.cmpi slt, %get3A_45, %lt3A : vector<16xi32>
          %and3A = arith.andi %ge3A_49, %lt3A_52 : vector<16xi1>
          %sub3A = vector.broadcast %add3A_21 : i32 to vector<16xi32>
          %sub3A_53 = arith.subi %get3A_45, %sub3A : vector<16xi32>
          %and3A_54 = arith.constant 63 : i32
          %and3A_55 = vector.broadcast %and3A_54 : i32 to vector<16xi32>
          %and3A_56 = arith.andi %get3A_45, %and3A_55 : vector<16xi32>
          %add3A_57 = arith.constant 851968 : i32
          %add3A_58 = vector.broadcast %add3A_57 : i32 to vector<16xi32>
          %add3A_59 = arith.addi %add3A_58, %and3A_56 : vector<16xi32>
          %select_n3A = arith.select %and3A, %sub3A_53, %add3A_59 : vector<16xi1>, vector<16xi32>
          %swap3A = arith.index_cast %multiple_of3A : i32 to index
          %swap3A_60 = tpu.vector_load %arg18[%swap3A] {strides = array<i32>} : memref<576xi32, #tpu.memory_space<vmem>>, vector<16xi32>,
          %swap3A_61 = vector.shape_cast %swap3A_60 : vector<16xi32> to vector<16xi32>
          %swap3A_62 = vector.shape_cast %select_n3A : vector<16xi32> to vector<16xi32>
          tpu.vector_store %arg18[%swap3A], %swap3A_62 {strides = array<i32>} : memref<576xi32, #tpu.memory_space<vmem>>, vector<16xi32>,
          %mul3A_63 = arith.mulf %get3A_48, %get3A_48 : vector<16xf32>
          %swap3A_64 = arith.index_cast %multiple_of3A : i32 to index
          %swap3A_65 = tpu.vector_load %arg17[%swap3A_64] {strides = array<i32>} : memref<576xf32, #tpu.memory_space<vmem>>, vector<16xf32>,
          %swap3A_66 = vector.shape_cast %swap3A_65 : vector<16xf32> to vector<16xf32>
          %swap3A_67 = vector.shape_cast %mul3A_63 : vector<16xf32> to vector<16xf32>
          tpu.vector_store %arg17[%swap3A_64], %swap3A_67 {strides = array<i32>} : memref<576xf32, #tpu.memory_space<vmem>>, vector<16xf32>,
          %scan3A_68 = arith.constant 0 : i32
          scf.yield %scan3A_68 : i32
        }
        %scan3A_39 = arith.constant 36 : i32
      } else {
      }
      %barrier3A_31 = arith.constant 0 : index
      tpu.barrier barrier_id(%barrier3A_31)
      %scan3A_32 = arith.constant 0 : i32
      scf.yield %scan3A_32 : i32
    }
    %scan3A_14 = arith.constant 6 : i32
    return
  }
}

</mosaic_0001>

<sc_bundles>
// kernel: kernel.3.cloned.1.call-start
scs
__scs_entry_jumppad:
0x0: {  	(pc) =	sbr.rel $0x88, $3  }
0x1: {  	(tag) =	ssettag $0x0;
	lr =	simm.s32 $0x1  }
0x2: {  	[smem:$0x3F9E] =	sst lr;
	_ =	strace $0xD0000000  }
0x3: {  	_ = 	snop  }
0x4: {  	_ = 	snop  }
0x5: {  	_ = 	snop  }
0x6: {  	_ = 	snop  }
0x7: {  	_ = 	snop  }
__scs_overlays_trampoline_lowered:
0x8: {  	[smem:$0x3FAD] =	sst s0  }
0x9: {  	[smem:$0x3FAE] =	sst s1  }
0xa: {  	[smem:$0x3FAF] =	sst s2  }
0xb: {  	[smem:$0x3FB0] =	sst s3  }
0xc: {  	[smem:$0x3FB1] =	sst s4  }
0xd: {  	[smem:$0x3FB2] =	sst s5  }
0xe: {  	[smem:$0x3FB3] =	sst s6  }
0xf: {  	[smem:$0x3FB4] =	sst s7  }
0x10: {  	[smem:$0x3FB5] =	sst s8  }
0x11: {  	[smem:$0x3FB6] =	sst s9;
	s0 =	simm.s32 @!p0 $0x0  }
0x12: {  	s1 =	sld [smem:$0x3F9C];
	s0 =	simm.s32 @p0 $0x1  }
0x13: {  	[smem:$0x3FB7] =	sst s0;
	s0 =	simm.s32 @!p1 $0x0  }
0x14: {  	s2 =	sld [smem:$0x3F9B];
	s0 =	simm.s32 @p1 $0x1  }
0x15: {  	[smem:$0x3FB8] =	sst s0;
	s0 =	simm.s32 @!p2 $0x0  }
0x16: {  	s3 =	sld [smem:$0x3FDB];
	s0 =	simm.s32 @p2 $0x1  }
0x17: {  	s4 =	simm.s32 $0x1BF5;
	[smem:$0x3FBA] =	sst s0  }
0x18: {  	s0 =	sld [smem:$0x3F9D];
	_ =	swait.ge [sflag:s4], $0x0  }
0x19: {  	s7 =	sld [smem:$0x3F9E]  }
0x1a: {  	s8 =	sadd.s32 $0xFFFFE003, lr  }
0x1b: {  	s9 =	sadd.s32 $0xFFFFFEF7, lr;
	s5 =	simm.s32 $0xFFFFFFFF;
	p2 =	slt.u32 s8, $0xFFFFF086  }
0x1c: {  	p1 =	slt.u32 s9, $0xF7A;
	s5 =	simm.s32 @!p2 $0x0  }
0x1d: {  	s5 =	simm.s32 @p1 $0x1;
	p0 =	seq.s32 s7, s2  }
0x1e: {  	s7 =	smul.u32 @!p0 $0xF7A, s2;
	p2 =	seq.s32 @!p0 s5, $0x0  }
0x1f: {  	s9 =	smul.u32 $0xF7A, s1;
	s8 =	simm.s32 @!p0 $0x1BF5;
	p2 =	por !p2, p0  }
0x20: {  	[sflag:s8] =	ssyncset.s32 @!p0 $0xFFFFF086;
	s6 =	sadd.s32 @!p0 s3, s7;
	s7 =	simm.s32 @!p0 $0x108  }
0x21: {  	s3 =	sadd.s32 s3, s9;
	s6 =	sadd.s32 @!p0 $0x88, s6;
	s7 =	simm.s32 @p2 $0x1082  }
0x22: {  	[simem:s7], [sflag:s8] =	dma.local @!p0 [hbm:s6], $0xF7A  }
0x23: {  	s9 =	sor.u32 $0xD0000000, s2;
	s6 =	simm.s32 $0x108;
	_ =	swait.ge @!p0 [sflag:s8], $0x0  }
0x24: {  	s3 =	sadd.s32 $0x88, s3;
	s6 =	simm.s32 @!p1 $0x1082;
	[sflag:s4] =	ssyncset.s32 $0xFFFFF086  }
0x25: {  	[simem:s6], [sflag:s4] =	dma.local [hbm:s3], $0xF7A  }
0x26: {  	[smem:$0x3F9E] =	sst s1;
	(tag) =	ssettag s2;
	_ =	strace s9  }
0x27: {  	s1 =	sld [smem:$0x3FAE]  }
0x28: {  	s2 =	sld [smem:$0x3FAF]  }
0x29: {  	s4 =	sld [smem:$0x3FB1]  }
0x2a: {  	p0 =	seq.s32 s5, $0x0;
	s5 =	sld [smem:$0x3FB2]  }
0x2b: {  	s6 =	sld [smem:$0x3FB3]  }
0x2c: {  	s7 =	sld [smem:$0x3FB4]  }
0x2d: {  	s3 =	simm.s32 $0x108;
	s8 =	sld [smem:$0x3FB5]  }
0x2e: {  	s3 =	simm.s32 @!p0 $0x1082;
	s9 =	sld [smem:$0x3FB6]  }
0x2f: {  	lr =	sadd.s32 s0, s3;
	s0 =	sld [smem:$0x3FAD]  }
0x30: {  	s3 =	sld [smem:$0x3FB0]  }
0x31: {  	[smem:$0x3FB9] =	sst s10  }
0x32: {  	s10 =	sld [smem:$0x3FB7];
	_ =	sdelay $0x3  }
0x33: {  	p0 =	seq.s32 s10, $0x1;
	s10 =	sld [smem:$0x3FB9];
	_ =	sdelay $0x3  }
0x34: {  	[smem:$0x3FB9] =	sst s10  }
0x35: {  	s10 =	sld [smem:$0x3FB8];
	_ =	sdelay $0x3  }
0x36: {  	p1 =	seq.s32 s10, $0x1;
	s10 =	sld [smem:$0x3FB9];
	_ =	sdelay $0x3  }
0x37: {  	[smem:$0x3FB9] =	sst s10  }
0x38: {  	s10 =	sld [smem:$0x3FBA]  }
0x39: {  	_ = 	snop;
	(pc) =	sbr.ind lr, $3  }
0x3a: {  	_ = 	snop  }
0x3b: {  	_ = 	snop  }
0x3c: {  	p2 =	seq.s32 s10, $0x1;
	s10 =	sld [smem:$0x3FB9]  }
0x3d: {  	_ =	shalt  }
0x3e: {  	_ =	shalt  }
0x3f: {  	_ =	shalt  }
0x40: {  	_ =	shalt  }
0x41: {  	_ =	shalt  }
0x42: {  	_ =	shalt  }
0x43: {  	_ =	shalt  }
0x44: {  	_ =	shalt  }
0x45: {  	_ =	shalt  }
0x46: {  	_ =	shalt  }
0x47: {  	_ =	shalt  }
0x48: {  	_ =	shalt  }
0x49: {  	_ =	shalt  }
0x4a: {  	_ =	shalt  }
0x4b: {  	_ =	shalt  }
0x4c: {  	_ =	shalt  }
0x4d: {  	_ =	shalt  }
0x4e: {  	_ =	shalt  }
0x4f: {  	_ =	shalt  }
0x50: {  	_ =	shalt  }
0x51: {  	_ =	shalt  }
0x52: {  	_ =	shalt  }
0x53: {  	_ =	shalt  }
0x54: {  	_ =	shalt  }
0x55: {  	_ =	shalt  }
0x56: {  	_ =	shalt  }
0x57: {  	_ =	shalt  }
0x58: {  	_ =	shalt  }
0x59: {  	_ =	shalt  }
0x5a: {  	_ =	shalt  }
0x5b: {  	_ =	shalt  }
0x5c: {  	_ =	shalt  }
0x5d: {  	_ =	shalt  }
0x5e: {  	_ =	shalt  }
0x5f: {  	_ =	shalt  }
0x60: {  	_ =	shalt  }
0x61: {  	_ =	shalt  }
0x62: {  	_ =	shalt  }
0x63: {  	_ =	shalt  }
0x64: {  	_ =	shalt  }
0x65: {  	_ =	shalt  }
0x66: {  	_ =	shalt  }
0x67: {  	_ =	shalt  }
0x68: {  	_ =	shalt  }
0x69: {  	_ =	shalt  }
0x6a: {  	_ =	shalt  }
0x6b: {  	_ =	shalt  }
0x6c: {  	_ =	shalt  }
0x6d: {  	_ =	shalt  }
0x6e: {  	_ =	shalt  }
0x6f: {  	_ =	shalt  }
0x70: {  	_ =	shalt  }
0x71: {  	_ =	shalt  }
0x72: {  	_ =	shalt  }
0x73: {  	_ =	shalt  }
0x74: {  	_ =	shalt  }
0x75: {  	_ =	shalt  }
0x76: {  	_ =	shalt  }
0x77: {  	_ =	shalt  }
0x78: {  	_ =	shalt  }
0x79: {  	_ =	shalt  }
0x7a: {  	_ =	shalt  }
0x7b: {  	_ =	shalt  }
0x7c: {  	_ =	shalt  }
0x7d: {  	_ =	shalt  }
0x7e: {  	_ =	shalt  }
0x7f: {  	_ =	shalt  }
0x80: {  	_ =	shalt  }
0x81: {  	_ =	shalt  }
0x82: {  	_ =	shalt  }
0x83: {  	_ =	shalt  }
0x84: {  	_ =	shalt  }
0x85: {  	_ =	shalt  }
0x86: {  	_ =	shalt  }
0x87: {  	_ =	shalt  }
.Lfunc_end0:
.L_simem_size_0:
called_computation_lowered:
.L_overlay_start_0:
0x88: {  	s2 =	sld [smem:$0x3FD9]  }
0x89: {  	s3 =	sld [smem:$0x3FFE];
	_ =	sdelay $0x1  }
0x8a: {  	s1 =	srdreg.scid  }
0x8b: {  	s0 =	sand.u32 $0x1, s1  }
0x8c: {  	s18 =	sshll.u32 s0, $0xA;
	s2 =	sadd.s32 s3, s2  }
0x8d: {  	s2 =	sadd.s32 s2, s18  }
0x8e: {  	[smem:$0x3FC5] =	sst s2  }
0x8f: {  	_ = 	snop  }
0x90: {  	s2 =	sld [smem:$0x3FC8]  }
0x91: {  	s19 =	sld [smem:$0x3FC7];
	(tm) =	ssettm $0x1  }
0x92: {  	s4 =	sld [smem:$0x3FFB];
	_ =	sdelay $0x3  }
0x93: {  	_ =	strace s4  }
0x94: {  	s4 =	sld [smem:$0x3FFC];
	_ =	sdelay $0x3  }
0x95: {  	_ =	strace s4  }
0x96: {  	s4 =	sld [smem:$0x3FFD];
	_ =	sdelay $0x3  }
0x97: {  	_ =	strace s4  }
0x98: {  	_ =	strace $0x8FFFFFFF  }
0x99: {  	s20 =	sld [smem:$0x3FDB];
	_ =	sdelay $0x1  }
0x9a: {  	s5 =	simm.s32 $_scs_section_size  }
0x9b: {  	s6 =	simm.s32 $_size__tile_overlayer_lowered;
	s7 =	simm.s32 $_tile_overlayer_lowered  }
0x9c: {  	s23 =	simm.s32 $0x1BFF;
	s22 =	sshll.u32 s7, $0x1;
	s4 =	sadd.s32 s5, s20  }
0x9d: {  	s8 =	simm.s32 $0x0;
	s21 =	sshll.u32 s6, $0x1;
	s6 =	sadd.s32 s22, s4  }
0x9e: {  	[timem:s8], [sflag:s23] =	dma.local [hbm:s6], s21  }
0x9f: {  	_ =	swait.ge [sflag:s23], s21  }
0xa0: {  	s5 =	ssub.s32 $0x0, s21;
	[sflag:s23] =	ssyncset.done $0x0  }
0xa1: {  	[sflag:s23] =	ssyncadd.s32 s5;
	_ =	sdelay $0x1  }
0xa2: {  	s24 =	simm.s32 $0x1B8B  }
0xa3: {  	_ =	swait.ge [sflag:s24], $0x1  }
0xa4: {  	[sflag:s24] =	ssyncset.done $0x0  }
0xa5: {  	s25 =	simm.s32 $0x1B8E;
	[sflag:s24] =	ssyncadd.s32 $0xFFFFFFFF  }
0xa6: {  	s26 =	simm.s32 $execute0_lowered;
	[smem:$0x3FD2] =	sst s25  }
0xa7: {  	s5 =	sshll.u32 s26, $0x1;
	_ =	strace $0x80000046;
	[dreg:$0x1] =	wrdreg $0xFFFFFFFF  }
0xa8: {  	s28 =	simm.s32 $_size_execute0_lowered;
	s4 =	sadd.s32 s4, s5;
	[dreg:$0x0] =	wrdreg $0x0  }
0xa9: {  	s5 =	sshll.u32 s28, $0x1;
	[dreg:$0x2] =	wrdreg s4  }
0xaa: {  	[dreg:$0x3] =	wrdreg s5  }
0xab: {  	[dreg:$0x4] =	wrdreg $0xC0  }
0xac: {  	_ =	task [dreg:s8], $0x5FFFF  }
0xad: {  	[dreg:$0x1] =	wrdreg $0xFFFFFFFF  }
0xae: {  	[dreg:$0x0] =	wrdreg $0x60  }
0xaf: {  	[dreg:$0x2] =	wrdreg s2  }
0xb0: {  	[dreg:$0x3] =	wrdreg s19  }
0xb1: {  	[dreg:$0x4] =	wrdreg $0x0  }
0xb2: {  	[dreg:$0x5] =	wrdreg $0xD0080  }
0xb3: {  	[dreg:$0x6] =	wrdreg $0x9  }
0xb4: {  	_ =	task.clear_ibuf [dreg:s8], $0x7FFFF;
	_ =	strace $0x90000046  }
0xb5: {  	s29 =	simm.s32 $0x9;
	_ =	strace $0x80000048  }
0xb6: {  	_ =	swait.ge [sflag:s29], $0x1  }
0xb7: {  	[sflag:s29] =	ssyncadd.s32 $0xFFFFFFFF  }
0xb8: {  	_ =	strace $0x90000048  }
0xb9: {  	_ =	sfence  }
0xba: {  	s30 =	sld [smem:$0x0];
	_ =	sdelay $0x2  }
0xbb: {  	s31 =	sshll.u32 s1, $0xD;
	s1 =	sshrl.u32 s1, $0x2  }
0xbc: {  	s3 =	sand.u32 $0x4000, s31;
	s1 =	sadd.s32 s1, s30  }
0xbd: {  	s0 =	sor.u32 s3, s0;
	s1 =	sshll.u32 s1, $0x11  }
0xbe: {  	s0 =	sor.u32 s1, s0  }
0xbf: {  	s0 =	sadd.s32 $0x8F2B, s0  }
0xc0: {  	[sflag:s0] =	ssyncadd.remote.s32 $0x1  }
0xc1: {  	_ =	sfence.sel $0xFFFF  }
0xc2: {  	[dreg:$0x0] =	wrdreg $0xFFFFFFFF;
	(pc) =	sbr.abs _section_cstart, $3  }
0xc3: {  	[dreg:$0x1] =	wrdreg $0xFFFFFFFF  }
0xc4: {  	_ =	task.clear_ibuf [dreg:s8], $0x2FFFF;
	_ =	strace $0x9FFFFFFF  }
0xc5: {  	(tm) =	ssettm $0x7FFFFFFF  }
tec
execute0_lowered:
.L_overlay_start_1:
0x0: {  	(tag) =	ssettag $0x1  }
0x1: {  	s5 =	rddreg [dreg:$0x0]  }
0x2: {  	s4 =	rddreg [dreg:$0x1]  }
0x3: {  	s7 =	rddreg [dreg:$0x2]  }
0x4: {  	s8 =	rddreg [dreg:$0x3]  }
0x5: {  	s1 =	srdreg.scid;
	s0 =	rddreg [dreg:$0x4];
	s2 =	simm.s32 $0x0  }
0x6: {  	s3 =	sand.u32 $0x1, s1;
	[smem:$0x7FF] =	sst s2  }
0x7: {  	s1 =	stileid.u32;
	s4 =	sadd.s32 $0x1E800, s4;
	s5 =	sadd.s32 $0x1E800, s5  }
0x8: {  	s6 =	ssub.s32 $0x2, s3;
	_ =	strace $0x80000047;
	s10 =	smul.u32 $0x34000, s1  }
.Ltmp0:
0x9: {  	s11 =	ssub.s32 $0x8, s3;
	s12 =	sshll.u32 s1, $0x1;
	(pc) =	sbr.rel .LBB2_1-.Ltmp0, $4  }
0xa: {  	s3 =	smul.u32 $0xD0000, s3;
	s9 =	sshrl.u32 s6, $0x1;
	p0 =	sne.s32 s12, s11  }
0xb: {  	s11 =	simm.s32 $0x1A010;
	s12 =	simm.s32 $0x1A290;
	s6 =	ssub.s32 s6, s9  }
0xc: {  	s31 =	sshrl.u32 s10, $0x2;
	s9 =	simm.s32 $0x1AA10;
	s10 =	simm.s32 $0x1  }
0xd: {  	v0 =	vimm.f32 $0.0e+00;
	s6 =	smax.u32 s6, $0x1;
	s7 =	sadd.s32 s31, s7;
	s8 =	sadd.s32 s31, s8  }
.LBB2_11:
0xe: {  	s2 =	sadd.s32 $0x1, s2  }
0xf: {  	p1 =	sne.s32 s2, s6  }
.Ltmp1:
0x10: {  	_ = 	snop;
	(pc) =	sbr.rel @!p1 .LBB2_12-.Ltmp1, $1  }
0x11: {  	_ =	sdelay $0x3  }
.LBB2_1:
0x12: {  	s13 =	simm.s32 $0x40;
	s14 =	simm.s32 $0x0  }
.LBB2_2:
0x13: {  	p1 =	sne.s32 s13, $0x1FC0;
	[tilespmem:s14+$0x1AA10] =	vst v0;
	s14 =	smov.u32 s13;
	s13 =	sadd.s32 $0x40, s13  }
.Ltmp2:
0x14: {  	(pc) =	sbr.rel @p1 .LBB2_2-.Ltmp2, $2  }
0x15: {  	_ =	sdelay $0x2  }
0x16: {  	s14 =	sshra.s32 s14, $0x2  }
.Ltmp3:
0x17: {  	(pc) =	sbr.rel .LBB2_4-.Ltmp3, $2  }
0x18: {  	_ =	sdelay $0x2  }
0x19: {  	[tilespmem:s14+$0x1AA10] =	vst v0;
	s13 =	simm.s32 $0x0  }
.LBB2_10:
0x1a: {  	s13 =	sadd.s32 $0x1, s13  }
0x1b: {  	p1 =	sne.s32 s13, $0x6  }
.Ltmp4:
0x1c: {  	_ = 	snop;
	(pc) =	sbr.rel @!p1 .LBB2_11-.Ltmp4, $2  }
0x1d: {  	_ =	sdelay $0x1  }
0x1e: {  	[bflag:$0x0] =	sbarrier.arrive $0xFFFF;
	_ =	sdelay $0x1  }
.LBB2_4:
0x1f: {  	s14 =	sadd.s32 $0x0, s7  }
0x20: {  	[spmem:s14] =	stream.linear.scatter [tilespmem:s9], [sflag:$0x1], $0x800, $0x38;
	[tilespmem:$0x1B210] =	vst v63  }
0x21: {  	_ =	swait.ge [sflag:s10], $0x800  }
0x22: {  	[sflag:s10] =	ssyncset.done $0x0  }
0x23: {  	s31 =	sadd.s32 $0x0, s8;
	[sflag:s10] =	ssyncadd.s32 $0xFFFFF800  }
0x24: {  	[spmem:s31] =	stream.linear.scatter [tilespmem:s9], [sflag:$0x1], $0x800, $0x38;
	[tilespmem:$0x1B210] =	vst v63  }
0x25: {  	_ =	swait.ge [sflag:s10], $0x800  }
0x26: {  	s15 =	simm.s32 $0x4000;
	s14 =	simm.s32 $0x800;
	[sflag:s10] =	ssyncset.done $0x0  }
.LBB2_5:
0x27: {  	s16 =	sadd.s32 s14, s7  }
0x28: {  	[sflag:s10] =	ssyncadd.s32 $0xFFFFF800;
	s17 =	smov.u32 s15;
	s18 =	sadd.s32 $0x2000, s15  }
0x29: {  	[spmem:s16] =	stream.linear.scatter [tilespmem:s9], [sflag:$0x1], $0x800, $0x38;
	[tilespmem:$0x1B210] =	vst v63  }
0x2a: {  	p1 =	sne.s32 s15, $0x32000;
	_ =	swait.ge [sflag:s10], $0x800  }
.Ltmp5:
0x2b: {  	[sflag:s10] =	ssyncset.done $0x0;
	(pc) =	sbr.rel @p1 .LBB2_5-.Ltmp5, $4  }
0x2c: {  	s14 =	sadd.s32 s14, s8;
	[sflag:s10] =	ssyncadd.s32 $0xFFFFF800  }
0x2d: {  	[spmem:s14] =	stream.linear.scatter [tilespmem:s9], [sflag:$0x1], $0x800, $0x38;
	[tilespmem:$0x1B210] =	vst v63  }
0x2e: {  	_ =	swait.ge [sflag:s10], $0x800  }
0x2f: {  	s15 =	smov.u32 s18;
	s14 =	sshra.s32 s17, $0x2;
	[sflag:s10] =	ssyncset.done $0x0  }
0x30: {  	s15 =	sadd.s32 s14, s7;
	[sflag:s10] =	ssyncadd.s32 $0xFFFFF800  }
0x31: {  	[spmem:s15] =	stream.linear.scatter [tilespmem:s9], [sflag:$0x1], $0x800, $0x38;
	[tilespmem:$0x1B210] =	vst v63  }
0x32: {  	_ =	swait.ge [sflag:s10], $0x800  }
0x33: {  	[sflag:s10] =	ssyncset.done $0x0  }
0x34: {  	s31 =	sadd.s32 s14, s8;
	[sflag:s10] =	ssyncadd.s32 $0xFFFFF800  }
0x35: {  	[spmem:s31] =	stream.linear.scatter [tilespmem:s9], [sflag:$0x1], $0x800, $0x38;
	[tilespmem:$0x1B210] =	vst v63  }
.Ltmp6:
0x36: {  	_ =	swait.ge [sflag:s10], $0x800;
	(pc) =	sbr.rel @p0 .LBB2_10-.Ltmp6, $3  }
0x37: {  	[sflag:s10] =	ssyncset.done $0x0  }
0x38: {  	[sflag:s10] =	ssyncadd.s32 $0xFFFFF800  }
0x39: {  	[bflag:$0x0] =	sbarrier.arrive $0xFFFF;
	_ =	sdelay $0x1  }
0x3a: {  	s14 =	simm.s32 $0x0  }
0x3b: {  	[tilespmem:s11], [sflag:$0x1] =	stream.linear.gather [hbm4b:s4+s14], $0x240, $0x38;
	[tilespmem:$0x1B210] =	vst v63  }
0x3c: {  	_ =	swait.ge [sflag:s10], $0x240  }
0x3d: {  	[sflag:s10] =	ssyncset.done $0x0  }
0x3e: {  	[sflag:s10] =	ssyncadd.s32 $0xFFFFFDC0  }
0x3f: {  	[tilespmem:s12], [sflag:$0x1] =	stream.linear.gather [hbm4b:s5+s14], $0x240, $0x38;
	[tilespmem:$0x1B210] =	vst v63  }
0x40: {  	_ =	swait.ge [sflag:s10], $0x240  }
0x41: {  	[sflag:s10] =	ssyncset.done $0x0  }
0x42: {  	s31 =	smul.u32 $0x1A0000, s13;
	s14 =	simm.s32 $0x0;
	[sflag:s10] =	ssyncadd.s32 $0xFFFFFDC0  }
0x43: {  	v2 =	vld [tilespmem:s14+$0x1A010]  }
0x44: {  	s15 =	sadd.s32 s3, s31  }
0x45: {  	s16 =	sadd.s32 $0xD0000, s15;
	v3 =	vld [tilespmem:s14+$0x1A290]  }
0x46: {  	v1 =	vmov s15;
	s15 =	simm.s32 $0x40;
	v4 =	vmov s16  }
.LBB2_8:
0x47: {  	p1 =	sne.s32 s15, $0x8C0  }
.Ltmp7:
0x48: {  	s16 =	sshra.s32 s15, $0x2;
	s15 =	sadd.s32 $0x40, s15;
	vm0 =	vge.s32 v2, v1;
	vm1 =	vlt.s32 v2, v4;
	v5 =	vand.u32 $0x3F, v2;
	(pc) =	sbr.rel @p1 .LBB2_8-.Ltmp7, $4  }
0x49: {  	v6 =	vsub.s32 v2, v1;
	vm0 =	vmand vm0, vm1;
	v2 =	vld [tilespmem:s16+$0x1A010];
	v5 =	vor.u32 $0xD0000, v5  }
0x4a: {  	v5 =	vsel vm0, v6, v5;
	v6 =	vmul.f32 v3, v3;
	v3 =	vld [tilespmem:s16+$0x1A290]  }
0x4b: {  	[tilespmem:s14+$0x1A790] =	vst v5  }
0x4c: {  	[tilespmem:s14+$0x1A510] =	vst v6;
	s14 =	smov.u32 s16  }
0x4d: {  	_ = 	snop  }
.Ltmp8:
0x4e: {  	vm0 =	vge.s32 v2, v1;
	vm1 =	vlt.s32 v2, v4;
	v63 =	vand.u32 $0x3F, v2;
	(pc) =	sbr.rel .LBB2_10-.Ltmp8, $4  }
0x4f: {  	v1 =	vsub.s32 v2, v1;
	vm0 =	vmand vm0, vm1;
	v2 =	vor.u32 $0xD0000, v63  }
0x50: {  	v1 =	vsel vm0, v1, v2;
	v2 =	vmul.f32 v3, v3  }
0x51: {  	[tilespmem:s14+$0x1A790] =	vst v1  }
0x52: {  	[tilespmem:s14+$0x1A510] =	vst v2  }
.LBB2_12:
0x53: {  	_ =	sfence.sel $0x180000  }
0x54: {  	[bflag:$0x0] =	sbarrier.arrive $0xFFFF  }
0x55: {  	p0 =	sne.s32 s1, $0x0;
	_ =	strace $0x90000047  }
0x56: {  	s0 =	sadd.s32 @!p0 $0x100000, s0;
	[bflag:$0x2] =	sbarrier.arrive $0xFFFF  }
0x57: {  	[sflag:s0] =	ssyncadd.tile.s32 @!p0 $0x1;
	_ =	shalt  }
.Lfunc_end2:
_tile_overlayer_lowered:
.L_overlay_start_2:
0x58: {  	(tag) =	ssettag $0x2  }
0x59: {  	s0 =	rddreg [dreg:$0x0];
	s2 =	stileid.u32  }
0x5a: {  	s1 =	rddreg [dreg:$0x1];
	p0 =	sne.s32 s2, $0x0  }
0x5b: {  	s3 =	rddreg [dreg:$0x2];
	[bflag:$0x3] =	sbarrier.arrive $0xFFFF;
	s2 =	simm.s32 @!p0 $0x1C01  }
0x5c: {  	[timem:s3], [sflag:s2] =	dma.local @!p0 [hbm:s0], s1  }
0x5d: {  	s0 =	simm.s32 @!p0 $0x1  }
0x5e: {  	_ =	swait.ge @!p0 [sflag:s0], s1  }
0x5f: {  	s1 =	ssub.s32 @!p0 $0x0, s1;
	[sflag:s0] =	ssyncset.done @!p0 $0x0  }
0x60: {  	[sflag:s0] =	ssyncadd.s32 @!p0 s1  }
0x61: {  	[bflag:$0x3] =	sbarrier.arrive $0xFFFF  }
0x62: {  	_ =	shalt  }

</sc_bundles>
